<compile_context>
chip_gen: v7x
topology: tpu7x:2x2x1
jax: 0.10.2.dev20260603
libtpu: 0.0.44.dev20260713+nightly
codegen_flags: <defaults>
</compile_context>

<pallas_src>
import functools

import jax
import jax.numpy as jnp
import numpy as np
from jax import lax
from jax.experimental import pallas as pl
from jax.experimental.pallas import tpu as pltpu
from jax.experimental.pallas import tpu_sc as plsc

B = 16384
D = 32
NUM_LOC = 1000
NUM_LVL = 10
NC = 2
NS = 16
NW = NC * NS
BPW = B // NW
CHUNK = 512
NCHUNK = BPW // CHUNK

_mesh = plsc.VectorSubcoreMesh(core_axis_name="c", subcore_axis_name="s")

_OUT_IDX = tuple(
    (4 * np.arange(B, dtype=np.int32) + k).reshape(NW * NCHUNK, CHUNK)
    for k in range(3)
)


@functools.partial(
    pl.kernel,
    mesh=_mesh,
    compiler_params=pltpu.CompilerParams(use_tc_tiling_on_sc=False),
    out_type=jax.ShapeDtypeStruct((4 * B, D), jnp.float32),
    scratch_types=[
        pltpu.VMEM((BPW,), jnp.int32),
        pltpu.VMEM((BPW,), jnp.int32),
        pltpu.VMEM((BPW,), jnp.int32),
        pltpu.VMEM((NCHUNK, CHUNK), jnp.int32),
        pltpu.VMEM((NCHUNK, CHUNK), jnp.int32),
        pltpu.VMEM((NCHUNK, CHUNK), jnp.int32),
        pltpu.VMEM((BPW, D), jnp.float32),
        pltpu.VMEM((BPW, D), jnp.float32),
        pltpu.VMEM((BPW, D), jnp.float32),
        pltpu.VMEM_SHARED((NUM_LOC + 1, D), jnp.float32),
        pltpu.VMEM_SHARED((NUM_LVL + 1, D), jnp.float32),
        pltpu.SemaphoreType.DMA,
        pltpu.SemaphoreType.DMA,
        pltpu.SemaphoreType.DMA,
        pltpu.SemaphoreType.DMA,
        pltpu.SemaphoreType.DMA,
        pltpu.SemaphoreType.DMA,
        pltpu.SemaphoreType.DMA,
        pltpu.SemaphoreType.DMA,
    ],
)
def _emb_kernel(title_idx_hbm, loc_idx_hbm, lvl_idx_hbm,
                oidx_t_hbm, oidx_l_hbm, oidx_v_hbm,
                title_tab, loc_tab, lvl_tab, out_hbm,
                tidx_v, lidx_v, vidx_v, toidx_v, loidx_v, voidx_v,
                trows, lrows, vrows, loc_sp, lvl_sp,
                sem_it, sem_il, sem_iv, sem_oi, sem_g, sem_l, sem_v, sem_s):
    wid = lax.axis_index("s") * NC + lax.axis_index("c")
    base = wid * BPW
    row0 = wid * NCHUNK

    it = pltpu.async_copy(title_idx_hbm.at[pl.ds(base, BPW)], tidx_v, sem_it)
    il = pltpu.async_copy(loc_idx_hbm.at[pl.ds(base, BPW)], lidx_v, sem_il)
    iv = pltpu.async_copy(lvl_idx_hbm.at[pl.ds(base, BPW)], vidx_v, sem_iv)
    ot = pltpu.async_copy(oidx_t_hbm.at[pl.ds(row0, NCHUNK)], toidx_v, sem_oi)
    ol = pltpu.async_copy(oidx_l_hbm.at[pl.ds(row0, NCHUNK)], loidx_v, sem_oi)
    ov = pltpu.async_copy(oidx_v_hbm.at[pl.ds(row0, NCHUNK)], voidx_v, sem_oi)

    @pl.when(lax.axis_index("s") == 0)
    def _stage():
        pltpu.sync_copy(loc_tab, loc_sp)
        pltpu.sync_copy(lvl_tab, lvl_sp)

    it.wait()
    gt = pltpu.async_copy(title_tab.at[tidx_v], trows, sem_g)
    plsc.subcore_barrier()

    il.wait()
    gl = pltpu.async_copy(loc_sp.at[lidx_v], lrows, sem_l)
    iv.wait()
    gv = pltpu.async_copy(lvl_sp.at[vidx_v], vrows, sem_v)
    ot.wait()
    ol.wait()
    ov.wait()

    gl.wait()
    sl = pltpu.async_copy(lrows, out_hbm.at[loidx_v.at[0]], sem_s)
    gv.wait()
    sv = pltpu.async_copy(vrows, out_hbm.at[voidx_v.at[0]], sem_s)
    gt.wait()
    st = pltpu.async_copy(trows, out_hbm.at[toidx_v.at[0]], sem_s)
    sl.wait()
    sv.wait()
    st.wait()


def kernel(movie_title, location, level, title_table, location_table, level_table):
    t_idx = movie_title.astype(jnp.int32)
    l_idx = location.astype(jnp.int32)
    v_idx = level.astype(jnp.int32)
    out = _emb_kernel(t_idx, l_idx, v_idx,
                      _OUT_IDX[0], _OUT_IDX[1], _OUT_IDX[2],
                      title_table, location_table, level_table)
    return out.reshape(B, 4 * D)[:, :3 * D]

# --- scband reference (transcript-rebuilt; emitter-appended) ---
"""Pipeline reference for scband-movie-model-79886391706282 (READ-ONLY COPY).

The authoritative reference and input builder live on the scoring server;
editing this copy changes nothing except your own understanding.
"""

import jax, jax.numpy as jnp
import numpy as np

NUM_TITLES = 100000
NUM_LOCATIONS = 1000
NUM_LEVELS = 10
EMBED_DIM = 32
BATCH = 16384

def setup_inputs(seed: int = 0) -> dict:
    key = jax.random.key(seed)
    k1, k2, k3, k4, k5, k6 = jax.random.split(key, 6)
    movie_title = jax.random.randint(k1, (BATCH,), 0, NUM_TITLES, dtype=jnp.int64) if jax.config.jax_enable_x64 else jax.random.randint(k1, (BATCH,), 0, NUM_TITLES, dtype=jnp.int32)
    location = jax.random.randint(k2, (BATCH,), 0, NUM_LOCATIONS, dtype=movie_title.dtype)
    level = jax.random.randint(k3, (BATCH,), 0, NUM_LEVELS, dtype=movie_title.dtype)
    # Embedding tables sized vocab+1 to mirror StringLookup OOV slot + Embedding(len+1, 32)
    title_table = jax.random.normal(k4, (NUM_TITLES + 1, EMBED_DIM), dtype=jnp.float32) * 0.05
    location_table = jax.random.normal(k5, (NUM_LOCATIONS + 1, EMBED_DIM), dtype=jnp.float32) * 0.05
    level_table = jax.random.normal(k6, (NUM_LEVELS + 1, EMBED_DIM), dtype=jnp.float32) * 0.05
    return {
        "movie_title": movie_title,
        "location": location,
        "level": level,
        "title_table": title_table,
        "location_table": location_table,
        "level_table": level_table,
    }

def reference(movie_title, location, level, title_table, location_table, level_table):
    # StringLookup is modeled as pre-tokenized integer ids; Embedding -> table gather.
    t = jnp.take(title_table, movie_title, axis=0)
    l = jnp.take(location_table, location, axis=0)
    v = jnp.take(level_table, level, axis=0)
    return jnp.concatenate([t, l, v], axis=1)

if __name__ == "__main__":
    import jax
    _d = setup_inputs()
    print(jax.jit(kernel)(*tuple(_d.values())))

</pallas_src>

<mosaic_0001>
#map = affine_map<(d0, d1) -> (0)>
#map1 = affine_map<(d0, d1) -> (0, 0)>
module attributes {stable_mosaic.version = 14 : i64} {
  func.func @_emb_kernel(%arg0: i32, %arg1: i32, %arg2: memref<16384xi32, #tpu.memory_space<hbm>>, %arg3: memref<16384xi32, #tpu.memory_space<hbm>>, %arg4: memref<16384xi32, #tpu.memory_space<hbm>>, %arg5: memref<32x512xi32, #tpu.memory_space<hbm>>, %arg6: memref<32x512xi32, #tpu.memory_space<hbm>>, %arg7: memref<32x512xi32, #tpu.memory_space<hbm>>, %arg8: memref<100001x32xf32, #tpu.memory_space<hbm>>, %arg9: memref<1001x32xf32, #tpu.memory_space<hbm>>, %arg10: memref<11x32xf32, #tpu.memory_space<hbm>>, %arg11: memref<65536x32xf32, #tpu.memory_space<hbm>>, %arg12: memref<512xi32, #tpu.memory_space<vmem>>, %arg13: memref<512xi32, #tpu.memory_space<vmem>>, %arg14: memref<512xi32, #tpu.memory_space<vmem>>, %arg15: memref<1x512xi32, #tpu.memory_space<vmem>>, %arg16: memref<1x512xi32, #tpu.memory_space<vmem>>, %arg17: memref<1x512xi32, #tpu.memory_space<vmem>>, %arg18: memref<512x32xf32, #tpu.memory_space<vmem>>, %arg19: memref<512x32xf32, #tpu.memory_space<vmem>>, %arg20: memref<512x32xf32, #tpu.memory_space<vmem>>, %arg21: memref<1001x32xf32, #tpu.memory_space<vmem_shared>>, %arg22: memref<11x32xf32, #tpu.memory_space<vmem_shared>>, %arg23: memref<!tpu.dma_semaphore, #tpu.memory_space<semaphore_mem>>, %arg24: memref<!tpu.dma_semaphore, #tpu.memory_space<semaphore_mem>>, %arg25: memref<!tpu.dma_semaphore, #tpu.memory_space<semaphore_mem>>, %arg26: memref<!tpu.dma_semaphore, #tpu.memory_space<semaphore_mem>>, %arg27: memref<!tpu.dma_semaphore, #tpu.memory_space<semaphore_mem>>, %arg28: memref<!tpu.dma_semaphore, #tpu.memory_space<semaphore_mem>>, %arg29: memref<!tpu.dma_semaphore, #tpu.memory_space<semaphore_mem>>, %arg30: memref<!tpu.dma_semaphore, #tpu.memory_space<semaphore_mem>>) attributes {dimension_semantics = [#tpu.dimension_semantics<core_parallel>, #tpu.dimension_semantics<subcore_parallel>], iteration_bounds = array<i64: 2, 16>, scalar_prefetch = 0 : i64, scratch_operands = 19 : i64, tpu.core_type = #tpu.core_type<sc_vector_subcore>, window_params = [{transform_indices = #map}, {transform_indices = #map}, {transform_indices = #map}, {transform_indices = #map1}, {transform_indices = #map1}, {transform_indices = #map1}, {transform_indices = #map1}, {transform_indices = #map1}, {transform_indices = #map1}, {transform_indices = #map1}]} {
    %mul3A = arith.constant 2 : i32
    %mul3A_0 = arith.muli %arg1, %mul3A : i32
    %add3A = arith.addi %mul3A_0, %arg0 : i32
    %mul3A_1 = arith.constant 512 : i32
    %mul3A_2 = arith.muli %add3A, %mul3A_1 : i32
    %mul3A_3 = arith.constant 1 : i32
    %mul3A_4 = arith.muli %add3A, %mul3A_3 : i32
    %dma_start3A = tpu.memref_slice %arg2[%mul3A_2] : memref<16384xi32, #tpu.memory_space<hbm>> -> memref<512xi32, #tpu.memory_space<hbm>>
    %dma_start3A_5 = tpu.memref_slice %arg2[%mul3A_2] : memref<16384xi32, #tpu.memory_space<hbm>> -> memref<512xi32, #tpu.memory_space<hbm>>
    tpu.enqueue_dma source(%dma_start3A_5 : memref<512xi32, #tpu.memory_space<hbm>>) target(%arg12 : memref<512xi32, #tpu.memory_space<vmem>>) target_semaphore(%arg23 : memref<!tpu.dma_semaphore, #tpu.memory_space<semaphore_mem>>)
    %dma_start3A_6 = tpu.memref_slice %arg3[%mul3A_2] : memref<16384xi32, #tpu.memory_space<hbm>> -> memref<512xi32, #tpu.memory_space<hbm>>
    %dma_start3A_7 = tpu.memref_slice %arg3[%mul3A_2] : memref<16384xi32, #tpu.memory_space<hbm>> -> memref<512xi32, #tpu.memory_space<hbm>>
    tpu.enqueue_dma source(%dma_start3A_7 : memref<512xi32, #tpu.memory_space<hbm>>) target(%arg13 : memref<512xi32, #tpu.memory_space<vmem>>) target_semaphore(%arg24 : memref<!tpu.dma_semaphore, #tpu.memory_space<semaphore_mem>>)
    %dma_start3A_8 = tpu.memref_slice %arg4[%mul3A_2] : memref<16384xi32, #tpu.memory_space<hbm>> -> memref<512xi32, #tpu.memory_space<hbm>>
    %dma_start3A_9 = tpu.memref_slice %arg4[%mul3A_2] : memref<16384xi32, #tpu.memory_space<hbm>> -> memref<512xi32, #tpu.memory_space<hbm>>
    tpu.enqueue_dma source(%dma_start3A_9 : memref<512xi32, #tpu.memory_space<hbm>>) target(%arg14 : memref<512xi32, #tpu.memory_space<vmem>>) target_semaphore(%arg25 : memref<!tpu.dma_semaphore, #tpu.memory_space<semaphore_mem>>)
    %dma_start3A_10 = arith.constant 0 : i32
    %dma_start3A_11 = tpu.memref_slice %arg5[%mul3A_4, %dma_start3A_10] : memref<32x512xi32, #tpu.memory_space<hbm>> -> memref<1x512xi32, #tpu.memory_space<hbm>>
    %dma_start3A_12 = arith.constant 0 : i32
    %dma_start3A_13 = tpu.memref_slice %arg5[%mul3A_4, %dma_start3A_12] : memref<32x512xi32, #tpu.memory_space<hbm>> -> memref<1x512xi32, #tpu.memory_space<hbm>>
    tpu.enqueue_dma source(%dma_start3A_13 : memref<1x512xi32, #tpu.memory_space<hbm>>) target(%arg15 : memref<1x512xi32, #tpu.memory_space<vmem>>) target_semaphore(%arg26 : memref<!tpu.dma_semaphore, #tpu.memory_space<semaphore_mem>>)
    %dma_start3A_14 = arith.constant 0 : i32
    %dma_start3A_15 = tpu.memref_slice %arg6[%mul3A_4, %dma_start3A_14] : memref<32x512xi32, #tpu.memory_space<hbm>> -> memref<1x512xi32, #tpu.memory_space<hbm>>
    %dma_start3A_16 = arith.constant 0 : i32
    %dma_start3A_17 = tpu.memref_slice %arg6[%mul3A_4, %dma_start3A_16] : memref<32x512xi32, #tpu.memory_space<hbm>> -> memref<1x512xi32, #tpu.memory_space<hbm>>
    tpu.enqueue_dma source(%dma_start3A_17 : memref<1x512xi32, #tpu.memory_space<hbm>>) target(%arg16 : memref<1x512xi32, #tpu.memory_space<vmem>>) target_semaphore(%arg26 : memref<!tpu.dma_semaphore, #tpu.memory_space<semaphore_mem>>)
    %dma_start3A_18 = arith.constant 0 : i32
    %dma_start3A_19 = tpu.memref_slice %arg7[%mul3A_4, %dma_start3A_18] : memref<32x512xi32, #tpu.memory_space<hbm>> -> memref<1x512xi32, #tpu.memory_space<hbm>>
    %dma_start3A_20 = arith.constant 0 : i32
    %dma_start3A_21 = tpu.memref_slice %arg7[%mul3A_4, %dma_start3A_20] : memref<32x512xi32, #tpu.memory_space<hbm>> -> memref<1x512xi32, #tpu.memory_space<hbm>>
    tpu.enqueue_dma source(%dma_start3A_21 : memref<1x512xi32, #tpu.memory_space<hbm>>) target(%arg17 : memref<1x512xi32, #tpu.memory_space<vmem>>) target_semaphore(%arg26 : memref<!tpu.dma_semaphore, #tpu.memory_space<semaphore_mem>>)
    %eq3A = arith.constant 0 : i32
    %eq3A_22 = arith.cmpi eq, %arg1, %eq3A : i32
    %convert_element_type3A = arith.extui %eq3A_22 : i1 to i32
    %cond3A = arith.constant 0 : i32
    %cond3A_23 = arith.cmpi ne, %convert_element_type3A, %cond3A : i32
    scf.if %cond3A_23 {
      "tpu.region"() ({
        %run_scoped3A = tpu.sem_alloc : memref<!tpu.dma_semaphore, #tpu.memory_space<semaphore_mem>>
        tpu.enqueue_dma source(%arg9 : memref<1001x32xf32, #tpu.memory_space<hbm>>) target(%arg21 : memref<1001x32xf32, #tpu.memory_space<vmem_shared>>) target_semaphore(%run_scoped3A : memref<!tpu.dma_semaphore, #tpu.memory_space<semaphore_mem>>)
        tpu.wait_dma2 semaphore(%run_scoped3A : memref<!tpu.dma_semaphore, #tpu.memory_space<semaphore_mem>>) src(%arg9 : memref<1001x32xf32, #tpu.memory_space<hbm>>) dst(%arg21 : memref<1001x32xf32, #tpu.memory_space<vmem_shared>>)
        tpu.yield
      }) : () -> ()
      "tpu.region"() ({
        %run_scoped3A = tpu.sem_alloc : memref<!tpu.dma_semaphore, #tpu.memory_space<semaphore_mem>>
        tpu.enqueue_dma source(%arg10 : memref<11x32xf32, #tpu.memory_space<hbm>>) target(%arg22 : memref<11x32xf32, #tpu.memory_space<vmem_shared>>) target_semaphore(%run_scoped3A : memref<!tpu.dma_semaphore, #tpu.memory_space<semaphore_mem>>)
        tpu.wait_dma2 semaphore(%run_scoped3A : memref<!tpu.dma_semaphore, #tpu.memory_space<semaphore_mem>>) src(%arg10 : memref<11x32xf32, #tpu.memory_space<hbm>>) dst(%arg22 : memref<11x32xf32, #tpu.memory_space<vmem_shared>>)
        tpu.yield
      }) : () -> ()
    } else {
    }
    %dma_wait3A = tpu.memref_slice %arg2[%mul3A_2] : memref<16384xi32, #tpu.memory_space<hbm>> -> memref<512xi32, #tpu.memory_space<hbm>>
    %dma_wait3A_24 = tpu.memref_slice %arg2[%mul3A_2] : memref<16384xi32, #tpu.memory_space<hbm>> -> memref<512xi32, #tpu.memory_space<hbm>>
    tpu.wait_dma2 semaphore(%arg23 : memref<!tpu.dma_semaphore, #tpu.memory_space<semaphore_mem>>) src(%dma_wait3A_24 : memref<512xi32, #tpu.memory_space<hbm>>) dst(%arg12 : memref<512xi32, #tpu.memory_space<vmem>>)
    %dma_start3A_25 = arith.constant 0 : i32
    %dma_start3A_26 = arith.constant 0 : i32
    %dma_start3A_27 = tpu.memref_slice %arg8[%dma_start3A_25, %dma_start3A_26] : memref<100001x32xf32, #tpu.memory_space<hbm>> -> memref<100001x32xf32, #tpu.memory_space<hbm>>
    tpu.enqueue_indirect_dma source(%dma_start3A_27 : memref<100001x32xf32, #tpu.memory_space<hbm>>) target(%arg18 : memref<512x32xf32, #tpu.memory_space<vmem>>) offsets(%arg12 : memref<512xi32, #tpu.memory_space<vmem>>) semaphore(%arg27 : memref<!tpu.dma_semaphore, #tpu.memory_space<semaphore_mem>>)
    %barrier3A = arith.constant 0 : index
    tpu.barrier barrier_id(%barrier3A)
    %dma_wait3A_28 = tpu.memref_slice %arg3[%mul3A_2] : memref<16384xi32, #tpu.memory_space<hbm>> -> memref<512xi32, #tpu.memory_space<hbm>>
    %dma_wait3A_29 = tpu.memref_slice %arg3[%mul3A_2] : memref<16384xi32, #tpu.memory_space<hbm>> -> memref<512xi32, #tpu.memory_space<hbm>>
    tpu.wait_dma2 semaphore(%arg24 : memref<!tpu.dma_semaphore, #tpu.memory_space<semaphore_mem>>) src(%dma_wait3A_29 : memref<512xi32, #tpu.memory_space<hbm>>) dst(%arg13 : memref<512xi32, #tpu.memory_space<vmem>>)
    %dma_start3A_30 = arith.constant 0 : i32
    %dma_start3A_31 = arith.constant 0 : i32
    %dma_start3A_32 = tpu.memref_slice %arg21[%dma_start3A_30, %dma_start3A_31] : memref<1001x32xf32, #tpu.memory_space<vmem_shared>> -> memref<1001x32xf32, #tpu.memory_space<vmem_shared>>
    tpu.enqueue_indirect_dma source(%dma_start3A_32 : memref<1001x32xf32, #tpu.memory_space<vmem_shared>>) target(%arg19 : memref<512x32xf32, #tpu.memory_space<vmem>>) offsets(%arg13 : memref<512xi32, #tpu.memory_space<vmem>>) semaphore(%arg28 : memref<!tpu.dma_semaphore, #tpu.memory_space<semaphore_mem>>)
    %dma_wait3A_33 = tpu.memref_slice %arg4[%mul3A_2] : memref<16384xi32, #tpu.memory_space<hbm>> -> memref<512xi32, #tpu.memory_space<hbm>>
    %dma_wait3A_34 = tpu.memref_slice %arg4[%mul3A_2] : memref<16384xi32, #tpu.memory_space<hbm>> -> memref<512xi32, #tpu.memory_space<hbm>>
    tpu.wait_dma2 semaphore(%arg25 : memref<!tpu.dma_semaphore, #tpu.memory_space<semaphore_mem>>) src(%dma_wait3A_34 : memref<512xi32, #tpu.memory_space<hbm>>) dst(%arg14 : memref<512xi32, #tpu.memory_space<vmem>>)
    %dma_start3A_35 = arith.constant 0 : i32
    %dma_start3A_36 = arith.constant 0 : i32
    %dma_start3A_37 = tpu.memref_slice %arg22[%dma_start3A_35, %dma_start3A_36] : memref<11x32xf32, #tpu.memory_space<vmem_shared>> -> memref<11x32xf32, #tpu.memory_space<vmem_shared>>
    tpu.enqueue_indirect_dma source(%dma_start3A_37 : memref<11x32xf32, #tpu.memory_space<vmem_shared>>) target(%arg20 : memref<512x32xf32, #tpu.memory_space<vmem>>) offsets(%arg14 : memref<512xi32, #tpu.memory_space<vmem>>) semaphore(%arg29 : memref<!tpu.dma_semaphore, #tpu.memory_space<semaphore_mem>>)
    %dma_wait3A_38 = arith.constant 0 : i32
    %dma_wait3A_39 = tpu.memref_slice %arg5[%mul3A_4, %dma_wait3A_38] : memref<32x512xi32, #tpu.memory_space<hbm>> -> memref<1x512xi32, #tpu.memory_space<hbm>>
    %dma_wait3A_40 = arith.constant 0 : i32
    %dma_wait3A_41 = tpu.memref_slice %arg5[%mul3A_4, %dma_wait3A_40] : memref<32x512xi32, #tpu.memory_space<hbm>> -> memref<1x512xi32, #tpu.memory_space<hbm>>
    tpu.wait_dma2 semaphore(%arg26 : memref<!tpu.dma_semaphore, #tpu.memory_space<semaphore_mem>>) src(%dma_wait3A_41 : memref<1x512xi32, #tpu.memory_space<hbm>>) dst(%arg15 : memref<1x512xi32, #tpu.memory_space<vmem>>)
    %dma_wait3A_42 = arith.constant 0 : i32
    %dma_wait3A_43 = tpu.memref_slice %arg6[%mul3A_4, %dma_wait3A_42] : memref<32x512xi32, #tpu.memory_space<hbm>> -> memref<1x512xi32, #tpu.memory_space<hbm>>
    %dma_wait3A_44 = arith.constant 0 : i32
    %dma_wait3A_45 = tpu.memref_slice %arg6[%mul3A_4, %dma_wait3A_44] : memref<32x512xi32, #tpu.memory_space<hbm>> -> memref<1x512xi32, #tpu.memory_space<hbm>>
    tpu.wait_dma2 semaphore(%arg26 : memref<!tpu.dma_semaphore, #tpu.memory_space<semaphore_mem>>) src(%dma_wait3A_45 : memref<1x512xi32, #tpu.memory_space<hbm>>) dst(%arg16 : memref<1x512xi32, #tpu.memory_space<vmem>>)
    %dma_wait3A_46 = arith.constant 0 : i32
    %dma_wait3A_47 = tpu.memref_slice %arg7[%mul3A_4, %dma_wait3A_46] : memref<32x512xi32, #tpu.memory_space<hbm>> -> memref<1x512xi32, #tpu.memory_space<hbm>>
    %dma_wait3A_48 = arith.constant 0 : i32
    %dma_wait3A_49 = tpu.memref_slice %arg7[%mul3A_4, %dma_wait3A_48] : memref<32x512xi32, #tpu.memory_space<hbm>> -> memref<1x512xi32, #tpu.memory_space<hbm>>
    tpu.wait_dma2 semaphore(%arg26 : memref<!tpu.dma_semaphore, #tpu.memory_space<semaphore_mem>>) src(%dma_wait3A_49 : memref<1x512xi32, #tpu.memory_space<hbm>>) dst(%arg17 : memref<1x512xi32, #tpu.memory_space<vmem>>)
    %dma_wait3A_50 = arith.constant 0 : i32
    %dma_wait3A_51 = arith.constant 0 : i32
    %dma_wait3A_52 = tpu.memref_slice %arg21[%dma_wait3A_50, %dma_wait3A_51] : memref<1001x32xf32, #tpu.memory_space<vmem_shared>> -> memref<1001x32xf32, #tpu.memory_space<vmem_shared>>
    tpu.wait_indirect_dma semaphore(%arg28 : memref<!tpu.dma_semaphore, #tpu.memory_space<semaphore_mem>>) src(%dma_wait3A_52 : memref<1001x32xf32, #tpu.memory_space<vmem_shared>>) dst(%arg19 : memref<512x32xf32, #tpu.memory_space<vmem>>)
    %dma_start3A_53 = arith.constant 0 : i32
    %dma_start3A_54 = arith.constant 0 : i32
    %dma_start3A_55 = tpu.memref_slice %arg16[%dma_start3A_53, %dma_start3A_54] : memref<1x512xi32, #tpu.memory_space<vmem>> -> memref<1x512xi32, #tpu.memory_space<vmem>>
    %dma_start3A_56 = tpu.memref_squeeze %dma_start3A_55 : memref<1x512xi32, #tpu.memory_space<vmem>> -> memref<512xi32, #tpu.memory_space<vmem>>
    %dma_start3A_57 = arith.constant 0 : i32
    %dma_start3A_58 = arith.constant 0 : i32
    %dma_start3A_59 = tpu.memref_slice %arg11[%dma_start3A_57, %dma_start3A_58] : memref<65536x32xf32, #tpu.memory_space<hbm>> -> memref<65536x32xf32, #tpu.memory_space<hbm>>
    tpu.enqueue_indirect_dma source(%arg19 : memref<512x32xf32, #tpu.memory_space<vmem>>) target(%dma_start3A_59 : memref<65536x32xf32, #tpu.memory_space<hbm>>) offsets(%dma_start3A_56 : memref<512xi32, #tpu.memory_space<vmem>>) semaphore(%arg30 : memref<!tpu.dma_semaphore, #tpu.memory_space<semaphore_mem>>)
    %dma_wait3A_60 = arith.constant 0 : i32
    %dma_wait3A_61 = arith.constant 0 : i32
    %dma_wait3A_62 = tpu.memref_slice %arg22[%dma_wait3A_60, %dma_wait3A_61] : memref<11x32xf32, #tpu.memory_space<vmem_shared>> -> memref<11x32xf32, #tpu.memory_space<vmem_shared>>
    tpu.wait_indirect_dma semaphore(%arg29 : memref<!tpu.dma_semaphore, #tpu.memory_space<semaphore_mem>>) src(%dma_wait3A_62 : memref<11x32xf32, #tpu.memory_space<vmem_shared>>) dst(%arg20 : memref<512x32xf32, #tpu.memory_space<vmem>>)
    %dma_start3A_63 = arith.constant 0 : i32
    %dma_start3A_64 = arith.constant 0 : i32
    %dma_start3A_65 = tpu.memref_slice %arg17[%dma_start3A_63, %dma_start3A_64] : memref<1x512xi32, #tpu.memory_space<vmem>> -> memref<1x512xi32, #tpu.memory_space<vmem>>
    %dma_start3A_66 = tpu.memref_squeeze %dma_start3A_65 : memref<1x512xi32, #tpu.memory_space<vmem>> -> memref<512xi32, #tpu.memory_space<vmem>>
    %dma_start3A_67 = arith.constant 0 : i32
    %dma_start3A_68 = arith.constant 0 : i32
    %dma_start3A_69 = tpu.memref_slice %arg11[%dma_start3A_67, %dma_start3A_68] : memref<65536x32xf32, #tpu.memory_space<hbm>> -> memref<65536x32xf32, #tpu.memory_space<hbm>>
    tpu.enqueue_indirect_dma source(%arg20 : memref<512x32xf32, #tpu.memory_space<vmem>>) target(%dma_start3A_69 : memref<65536x32xf32, #tpu.memory_space<hbm>>) offsets(%dma_start3A_66 : memref<512xi32, #tpu.memory_space<vmem>>) semaphore(%arg30 : memref<!tpu.dma_semaphore, #tpu.memory_space<semaphore_mem>>)
    %dma_wait3A_70 = arith.constant 0 : i32
    %dma_wait3A_71 = arith.constant 0 : i32
    %dma_wait3A_72 = tpu.memref_slice %arg8[%dma_wait3A_70, %dma_wait3A_71] : memref<100001x32xf32, #tpu.memory_space<hbm>> -> memref<100001x32xf32, #tpu.memory_space<hbm>>
    tpu.wait_indirect_dma semaphore(%arg27 : memref<!tpu.dma_semaphore, #tpu.memory_space<semaphore_mem>>) src(%dma_wait3A_72 : memref<100001x32xf32, #tpu.memory_space<hbm>>) dst(%arg18 : memref<512x32xf32, #tpu.memory_space<vmem>>)
    %dma_start3A_73 = arith.constant 0 : i32
    %dma_start3A_74 = arith.constant 0 : i32
    %dma_start3A_75 = tpu.memref_slice %arg15[%dma_start3A_73, %dma_start3A_74] : memref<1x512xi32, #tpu.memory_space<vmem>> -> memref<1x512xi32, #tpu.memory_space<vmem>>
    %dma_start3A_76 = tpu.memref_squeeze %dma_start3A_75 : memref<1x512xi32, #tpu.memory_space<vmem>> -> memref<512xi32, #tpu.memory_space<vmem>>
    %dma_start3A_77 = arith.constant 0 : i32
    %dma_start3A_78 = arith.constant 0 : i32
    %dma_start3A_79 = tpu.memref_slice %arg11[%dma_start3A_77, %dma_start3A_78] : memref<65536x32xf32, #tpu.memory_space<hbm>> -> memref<65536x32xf32, #tpu.memory_space<hbm>>
    tpu.enqueue_indirect_dma source(%arg18 : memref<512x32xf32, #tpu.memory_space<vmem>>) target(%dma_start3A_79 : memref<65536x32xf32, #tpu.memory_space<hbm>>) offsets(%dma_start3A_76 : memref<512xi32, #tpu.memory_space<vmem>>) semaphore(%arg30 : memref<!tpu.dma_semaphore, #tpu.memory_space<semaphore_mem>>)
    %dma_wait3A_80 = arith.constant 0 : i32
    %dma_wait3A_81 = arith.constant 0 : i32
    %dma_wait3A_82 = tpu.memref_slice %arg16[%dma_wait3A_80, %dma_wait3A_81] : memref<1x512xi32, #tpu.memory_space<vmem>> -> memref<1x512xi32, #tpu.memory_space<vmem>>
    %dma_wait3A_83 = tpu.memref_squeeze %dma_wait3A_82 : memref<1x512xi32, #tpu.memory_space<vmem>> -> memref<512xi32, #tpu.memory_space<vmem>>
    %dma_wait3A_84 = arith.constant 0 : i32
    %dma_wait3A_85 = arith.constant 0 : i32
    %dma_wait3A_86 = tpu.memref_slice %arg11[%dma_wait3A_84, %dma_wait3A_85] : memref<65536x32xf32, #tpu.memory_space<hbm>> -> memref<65536x32xf32, #tpu.memory_space<hbm>>
    tpu.wait_indirect_dma semaphore(%arg30 : memref<!tpu.dma_semaphore, #tpu.memory_space<semaphore_mem>>) src(%arg19 : memref<512x32xf32, #tpu.memory_space<vmem>>) dst(%dma_wait3A_86 : memref<65536x32xf32, #tpu.memory_space<hbm>>)
    %dma_wait3A_87 = arith.constant 0 : i32
    %dma_wait3A_88 = arith.constant 0 : i32
    %dma_wait3A_89 = tpu.memref_slice %arg17[%dma_wait3A_87, %dma_wait3A_88] : memref<1x512xi32, #tpu.memory_space<vmem>> -> memref<1x512xi32, #tpu.memory_space<vmem>>
    %dma_wait3A_90 = tpu.memref_squeeze %dma_wait3A_89 : memref<1x512xi32, #tpu.memory_space<vmem>> -> memref<512xi32, #tpu.memory_space<vmem>>
    %dma_wait3A_91 = arith.constant 0 : i32
    %dma_wait3A_92 = arith.constant 0 : i32
    %dma_wait3A_93 = tpu.memref_slice %arg11[%dma_wait3A_91, %dma_wait3A_92] : memref<65536x32xf32, #tpu.memory_space<hbm>> -> memref<65536x32xf32, #tpu.memory_space<hbm>>
    tpu.wait_indirect_dma semaphore(%arg30 : memref<!tpu.dma_semaphore, #tpu.memory_space<semaphore_mem>>) src(%arg20 : memref<512x32xf32, #tpu.memory_space<vmem>>) dst(%dma_wait3A_93 : memref<65536x32xf32, #tpu.memory_space<hbm>>)
    %dma_wait3A_94 = arith.constant 0 : i32
    %dma_wait3A_95 = arith.constant 0 : i32
    %dma_wait3A_96 = tpu.memref_slice %arg15[%dma_wait3A_94, %dma_wait3A_95] : memref<1x512xi32, #tpu.memory_space<vmem>> -> memref<1x512xi32, #tpu.memory_space<vmem>>
    %dma_wait3A_97 = tpu.memref_squeeze %dma_wait3A_96 : memref<1x512xi32, #tpu.memory_space<vmem>> -> memref<512xi32, #tpu.memory_space<vmem>>
    %dma_wait3A_98 = arith.constant 0 : i32
    %dma_wait3A_99 = arith.constant 0 : i32
    %dma_wait3A_100 = tpu.memref_slice %arg11[%dma_wait3A_98, %dma_wait3A_99] : memref<65536x32xf32, #tpu.memory_space<hbm>> -> memref<65536x32xf32, #tpu.memory_space<hbm>>
    tpu.wait_indirect_dma semaphore(%arg30 : memref<!tpu.dma_semaphore, #tpu.memory_space<semaphore_mem>>) src(%arg18 : memref<512x32xf32, #tpu.memory_space<vmem>>) dst(%dma_wait3A_100 : memref<65536x32xf32, #tpu.memory_space<hbm>>)
    return
  }
}

</mosaic_0001>

<sc_bundles>
// kernel: kernel.3.cloned.1.call-start
scs
__scs_entry_jumppad:
0x0: {  	(pc) =	sbr.rel $0x88, $3  }
0x1: {  	(tag) =	ssettag $0x0;
	lr =	simm.s32 $0x1  }
0x2: {  	[smem:$0x3F9B] =	sst lr;
	_ =	strace $0xD0000000  }
0x3: {  	_ = 	snop  }
0x4: {  	_ = 	snop  }
0x5: {  	_ = 	snop  }
0x6: {  	_ = 	snop  }
0x7: {  	_ = 	snop  }
__scs_overlays_trampoline_lowered:
0x8: {  	[smem:$0x3FAA] =	sst s0  }
0x9: {  	[smem:$0x3FAB] =	sst s1  }
0xa: {  	[smem:$0x3FAC] =	sst s2  }
0xb: {  	[smem:$0x3FAD] =	sst s3  }
0xc: {  	[smem:$0x3FAE] =	sst s4  }
0xd: {  	[smem:$0x3FAF] =	sst s5  }
0xe: {  	[smem:$0x3FB0] =	sst s6  }
0xf: {  	[smem:$0x3FB1] =	sst s7  }
0x10: {  	[smem:$0x3FB2] =	sst s8  }
0x11: {  	[smem:$0x3FB3] =	sst s9;
	s0 =	simm.s32 @!p0 $0x0  }
0x12: {  	s1 =	sld [smem:$0x3F99];
	s0 =	simm.s32 @p0 $0x1  }
0x13: {  	[smem:$0x3FB4] =	sst s0;
	s0 =	simm.s32 @!p1 $0x0  }
0x14: {  	s2 =	sld [smem:$0x3F98];
	s0 =	simm.s32 @p1 $0x1  }
0x15: {  	[smem:$0x3FB5] =	sst s0;
	s0 =	simm.s32 @!p2 $0x0  }
0x16: {  	s3 =	sld [smem:$0x3FDB];
	s0 =	simm.s32 @p2 $0x1  }
0x17: {  	s4 =	simm.s32 $0x1BF5;
	[smem:$0x3FB7] =	sst s0  }
0x18: {  	s0 =	sld [smem:$0x3F9A];
	_ =	swait.ge [sflag:s4], $0x0  }
0x19: {  	s7 =	sld [smem:$0x3F9B]  }
0x1a: {  	s8 =	sadd.s32 $0xFFFFE003, lr  }
0x1b: {  	s9 =	sadd.s32 $0xFFFFFEF7, lr;
	s5 =	simm.s32 $0xFFFFFFFF;
	p2 =	slt.u32 s8, $0xFFFFF086  }
0x1c: {  	p1 =	slt.u32 s9, $0xF7A;
	s5 =	simm.s32 @!p2 $0x0  }
0x1d: {  	s5 =	simm.s32 @p1 $0x1;
	p0 =	seq.s32 s7, s2  }
0x1e: {  	s7 =	smul.u32 @!p0 $0xF7A, s2;
	p2 =	seq.s32 @!p0 s5, $0x0  }
0x1f: {  	s9 =	smul.u32 $0xF7A, s1;
	s8 =	simm.s32 @!p0 $0x1BF5;
	p2 =	por !p2, p0  }
0x20: {  	[sflag:s8] =	ssyncset.s32 @!p0 $0xFFFFF086;
	s6 =	sadd.s32 @!p0 s3, s7;
	s7 =	simm.s32 @!p0 $0x108  }
0x21: {  	s3 =	sadd.s32 s3, s9;
	s6 =	sadd.s32 @!p0 $0x88, s6;
	s7 =	simm.s32 @p2 $0x1082  }
0x22: {  	[simem:s7], [sflag:s8] =	dma.local @!p0 [hbm:s6], $0xF7A  }
0x23: {  	s9 =	sor.u32 $0xD0000000, s2;
	s6 =	simm.s32 $0x108;
	_ =	swait.ge @!p0 [sflag:s8], $0x0  }
0x24: {  	s3 =	sadd.s32 $0x88, s3;
	s6 =	simm.s32 @!p1 $0x1082;
	[sflag:s4] =	ssyncset.s32 $0xFFFFF086  }
0x25: {  	[simem:s6], [sflag:s4] =	dma.local [hbm:s3], $0xF7A  }
0x26: {  	[smem:$0x3F9B] =	sst s1;
	(tag) =	ssettag s2;
	_ =	strace s9  }
0x27: {  	s1 =	sld [smem:$0x3FAB]  }
0x28: {  	s2 =	sld [smem:$0x3FAC]  }
0x29: {  	s4 =	sld [smem:$0x3FAE]  }
0x2a: {  	p0 =	seq.s32 s5, $0x0;
	s5 =	sld [smem:$0x3FAF]  }
0x2b: {  	s6 =	sld [smem:$0x3FB0]  }
0x2c: {  	s7 =	sld [smem:$0x3FB1]  }
0x2d: {  	s3 =	simm.s32 $0x108;
	s8 =	sld [smem:$0x3FB2]  }
0x2e: {  	s3 =	simm.s32 @!p0 $0x1082;
	s9 =	sld [smem:$0x3FB3]  }
0x2f: {  	lr =	sadd.s32 s0, s3;
	s0 =	sld [smem:$0x3FAA]  }
0x30: {  	s3 =	sld [smem:$0x3FAD]  }
0x31: {  	[smem:$0x3FB6] =	sst s10  }
0x32: {  	s10 =	sld [smem:$0x3FB4];
	_ =	sdelay $0x3  }
0x33: {  	p0 =	seq.s32 s10, $0x1;
	s10 =	sld [smem:$0x3FB6];
	_ =	sdelay $0x3  }
0x34: {  	[smem:$0x3FB6] =	sst s10  }
0x35: {  	s10 =	sld [smem:$0x3FB5];
	_ =	sdelay $0x3  }
0x36: {  	p1 =	seq.s32 s10, $0x1;
	s10 =	sld [smem:$0x3FB6];
	_ =	sdelay $0x3  }
0x37: {  	[smem:$0x3FB6] =	sst s10  }
0x38: {  	s10 =	sld [smem:$0x3FB7]  }
0x39: {  	_ = 	snop;
	(pc) =	sbr.ind lr, $3  }
0x3a: {  	_ = 	snop  }
0x3b: {  	_ = 	snop  }
0x3c: {  	p2 =	seq.s32 s10, $0x1;
	s10 =	sld [smem:$0x3FB6]  }
0x3d: {  	_ =	shalt  }
0x3e: {  	_ =	shalt  }
0x3f: {  	_ =	shalt  }
0x40: {  	_ =	shalt  }
0x41: {  	_ =	shalt  }
0x42: {  	_ =	shalt  }
0x43: {  	_ =	shalt  }
0x44: {  	_ =	shalt  }
0x45: {  	_ =	shalt  }
0x46: {  	_ =	shalt  }
0x47: {  	_ =	shalt  }
0x48: {  	_ =	shalt  }
0x49: {  	_ =	shalt  }
0x4a: {  	_ =	shalt  }
0x4b: {  	_ =	shalt  }
0x4c: {  	_ =	shalt  }
0x4d: {  	_ =	shalt  }
0x4e: {  	_ =	shalt  }
0x4f: {  	_ =	shalt  }
0x50: {  	_ =	shalt  }
0x51: {  	_ =	shalt  }
0x52: {  	_ =	shalt  }
0x53: {  	_ =	shalt  }
0x54: {  	_ =	shalt  }
0x55: {  	_ =	shalt  }
0x56: {  	_ =	shalt  }
0x57: {  	_ =	shalt  }
0x58: {  	_ =	shalt  }
0x59: {  	_ =	shalt  }
0x5a: {  	_ =	shalt  }
0x5b: {  	_ =	shalt  }
0x5c: {  	_ =	shalt  }
0x5d: {  	_ =	shalt  }
0x5e: {  	_ =	shalt  }
0x5f: {  	_ =	shalt  }
0x60: {  	_ =	shalt  }
0x61: {  	_ =	shalt  }
0x62: {  	_ =	shalt  }
0x63: {  	_ =	shalt  }
0x64: {  	_ =	shalt  }
0x65: {  	_ =	shalt  }
0x66: {  	_ =	shalt  }
0x67: {  	_ =	shalt  }
0x68: {  	_ =	shalt  }
0x69: {  	_ =	shalt  }
0x6a: {  	_ =	shalt  }
0x6b: {  	_ =	shalt  }
0x6c: {  	_ =	shalt  }
0x6d: {  	_ =	shalt  }
0x6e: {  	_ =	shalt  }
0x6f: {  	_ =	shalt  }
0x70: {  	_ =	shalt  }
0x71: {  	_ =	shalt  }
0x72: {  	_ =	shalt  }
0x73: {  	_ =	shalt  }
0x74: {  	_ =	shalt  }
0x75: {  	_ =	shalt  }
0x76: {  	_ =	shalt  }
0x77: {  	_ =	shalt  }
0x78: {  	_ =	shalt  }
0x79: {  	_ =	shalt  }
0x7a: {  	_ =	shalt  }
0x7b: {  	_ =	shalt  }
0x7c: {  	_ =	shalt  }
0x7d: {  	_ =	shalt  }
0x7e: {  	_ =	shalt  }
0x7f: {  	_ =	shalt  }
0x80: {  	_ =	shalt  }
0x81: {  	_ =	shalt  }
0x82: {  	_ =	shalt  }
0x83: {  	_ =	shalt  }
0x84: {  	_ =	shalt  }
0x85: {  	_ =	shalt  }
0x86: {  	_ =	shalt  }
0x87: {  	_ =	shalt  }
.Lfunc_end0:
.L_simem_size_0:
called_computation_lowered:
.L_overlay_start_0:
0x88: {  	s2 =	sld [smem:$0x3FD9]  }
0x89: {  	s3 =	sld [smem:$0x3FFE];
	_ =	sdelay $0x1  }
0x8a: {  	s1 =	srdreg.scid  }
0x8b: {  	s0 =	sand.u32 $0x1, s1  }
0x8c: {  	s17 =	sshll.u32 s0, $0xA;
	s2 =	sadd.s32 s3, s2  }
0x8d: {  	s2 =	sadd.s32 s2, s17  }
0x8e: {  	[smem:$0x3FC2] =	sst s2  }
0x8f: {  	_ = 	snop  }
0x90: {  	s2 =	sld [smem:$0x3FC9]  }
0x91: {  	s18 =	sld [smem:$0x3FC8]  }
0x92: {  	s4 =	sld [smem:$0x3FC7]  }
0x93: {  	s5 =	sld [smem:$0x3FD0];
	(tm) =	ssettm $0x1  }
0x94: {  	s6 =	sld [smem:$0x3FFB];
	_ =	sdelay $0x3  }
0x95: {  	_ =	strace s6  }
0x96: {  	s6 =	sld [smem:$0x3FFC];
	_ =	sdelay $0x3  }
0x97: {  	_ =	strace s6  }
0x98: {  	s6 =	sld [smem:$0x3FFD];
	_ =	sdelay $0x3  }
0x99: {  	_ =	strace s6  }
0x9a: {  	_ =	strace $0x8FFFFFFF  }
0x9b: {  	s19 =	sld [smem:$0x3FDB];
	_ =	sdelay $0x1  }
0x9c: {  	s7 =	simm.s32 $_scs_section_size  }
0x9d: {  	s8 =	simm.s32 $_size__tile_overlayer_lowered;
	s9 =	simm.s32 $_tile_overlayer_lowered  }
0x9e: {  	s22 =	simm.s32 $0x1BFF;
	s21 =	sshll.u32 s9, $0x1;
	s6 =	sadd.s32 s7, s19  }
0x9f: {  	s10 =	simm.s32 $0x0;
	s20 =	sshll.u32 s8, $0x1;
	s8 =	sadd.s32 s21, s6  }
0xa0: {  	[timem:s10], [sflag:s22] =	dma.local [hbm:s8], s20  }
0xa1: {  	_ =	swait.ge [sflag:s22], s20  }
0xa2: {  	s7 =	ssub.s32 $0x0, s20;
	[sflag:s22] =	ssyncset.done $0x0  }
0xa3: {  	[sflag:s22] =	ssyncadd.s32 s7;
	_ =	sdelay $0x1  }
0xa4: {  	s23 =	simm.s32 $0x1B8B  }
0xa5: {  	_ =	swait.ge [sflag:s23], $0x1  }
0xa6: {  	[sflag:s23] =	ssyncset.done $0x0  }
0xa7: {  	s25 =	simm.s32 $0x1B8E;
	s24 =	sld [smem:$0x3FFE];
	[sflag:s23] =	ssyncadd.s32 $0xFFFFFFFF  }
0xa8: {  	s26 =	simm.s32 $execute0_lowered;
	[smem:$0x3FD2] =	sst s25  }
0xa9: {  	s8 =	sshll.u32 s26, $0x1;
	_ =	strace $0x80000046;
	[dreg:$0x1] =	wrdreg $0xFFFFFFFF  }
0xaa: {  	s28 =	simm.s32 $_size_execute0_lowered;
	s6 =	sadd.s32 s6, s8;
	[dreg:$0x0] =	wrdreg $0x0  }
0xab: {  	s8 =	sshll.u32 s28, $0x1;
	[dreg:$0x2] =	wrdreg s6  }
0xac: {  	[dreg:$0x3] =	wrdreg s8  }
0xad: {  	[dreg:$0x4] =	wrdreg $0xC0  }
0xae: {  	_ =	task [dreg:s10], $0x5FFFF  }
0xaf: {  	[dreg:$0x1] =	wrdreg $0xFFFFFFFF  }
0xb0: {  	[dreg:$0x0] =	wrdreg $0x60  }
0xb1: {  	[dreg:$0x2] =	wrdreg s2  }
0xb2: {  	[dreg:$0x3] =	wrdreg s18  }
0xb3: {  	[dreg:$0x4] =	wrdreg s4  }
0xb4: {  	[dreg:$0x5] =	wrdreg s24  }
0xb5: {  	[dreg:$0x6] =	wrdreg s5  }
0xb6: {  	[dreg:$0x7] =	wrdreg $0xCC000  }
0xb7: {  	[dreg:$0x8] =	wrdreg $0xD3D80  }
0xb8: {  	[dreg:$0x9] =	wrdreg $0x9  }
0xb9: {  	_ =	task.clear_ibuf [dreg:s10], $0xAFFFF;
	_ =	strace $0x90000046  }
0xba: {  	s29 =	simm.s32 $0x9;
	_ =	strace $0x80000048  }
0xbb: {  	_ =	swait.ge [sflag:s29], $0x1  }
0xbc: {  	[sflag:s29] =	ssyncadd.s32 $0xFFFFFFFF  }
0xbd: {  	_ =	strace $0x90000048  }
0xbe: {  	_ =	sfence  }
0xbf: {  	s30 =	sld [smem:$0x0];
	_ =	sdelay $0x2  }
0xc0: {  	s31 =	sshll.u32 s1, $0xD;
	s1 =	sshrl.u32 s1, $0x2  }
0xc1: {  	s3 =	sand.u32 $0x4000, s31;
	s1 =	sadd.s32 s1, s30  }
0xc2: {  	s0 =	sor.u32 s3, s0;
	s1 =	sshll.u32 s1, $0x11  }
0xc3: {  	s0 =	sor.u32 s1, s0  }
0xc4: {  	s0 =	sadd.s32 $0x8F2B, s0  }
0xc5: {  	[sflag:s0] =	ssyncadd.remote.s32 $0x1  }
0xc6: {  	_ =	sfence.sel $0xFFFF  }
0xc7: {  	[dreg:$0x0] =	wrdreg $0xFFFFFFFF;
	(pc) =	sbr.abs _section_cstart, $3  }
0xc8: {  	[dreg:$0x1] =	wrdreg $0xFFFFFFFF  }
0xc9: {  	_ =	task.clear_ibuf [dreg:s10], $0x2FFFF;
	_ =	strace $0x9FFFFFFF  }
0xca: {  	(tm) =	ssettm $0x7FFFFFFF  }
0xcb: {  	_ =	shalt  }
tec
execute0_lowered:
.L_overlay_start_1:
0x0: {  	(tag) =	ssettag $0x1  }
0x1: {  	s0 =	rddreg [dreg:$0x0]  }
0x2: {  	s4 =	rddreg [dreg:$0x1]  }
0x3: {  	s5 =	rddreg [dreg:$0x2]  }
0x4: {  	s1 =	rddreg [dreg:$0x3]  }
0x5: {  	s2 =	rddreg [dreg:$0x4]  }
0x6: {  	s3 =	rddreg [dreg:$0x5]  }
0x7: {  	s29 =	rddreg [dreg:$0x7];
	s7 =	srdreg.scid  }
0x8: {  	s6 =	simm.s32 $0x0;
	s8 =	stileid.u32;
	s14 =	simm.s32 $0x400  }
0x9: {  	s20 =	simm.s32 $0x1;
	s19 =	simm.s32 $0x2;
	s12 =	simm.s32 $0x4C00  }
0xa: {  	s18 =	simm.s32 $0x3;
	s17 =	simm.s32 $0x4;
	s15 =	simm.s32 $0x6  }
0xb: {  	p1 =	por $0x0, $0x0;
	s16 =	simm.s32 $0x7;
	[dreg:$0x9] =	wrdreg s2  }
0xc: {  	s13 =	simm.s32 $0x5;
	s2 =	rddreg [dreg:$0x6];
	s7 =	sand.u32 $0x1, s7  }
0xd: {  	[smem:$0x7FF] =	sst s6;
	s9 =	sshll.u32 s8, $0x7;
	s24 =	sadd.s32 $0x187A00, s1  }
0xe: {  	s25 =	sadd.s32 $0x2600, s1;
	s10 =	sshll.u32 s7, $0x6;
	s7 =	ssub.s32 $0x2, s7  }
0xf: {  	p0 =	sne.s32 s8, $0x0;
	s8 =	simm.s32 $0xC00;
	s26 =	sshrl.u32 s7, $0x1  }
0x10: {  	_ =	strace $0x80000047;
	[dreg:$0x8] =	wrdreg s24;
	s7 =	ssub.s32 s7, s26  }
0x11: {  	[dreg:$0xa] =	wrdreg s25;
	s28 =	sshrl.u32 @!p0 s3, $0x3;
	s30 =	smax.u32 s7, $0x1  }
0x12: {  	s9 =	sor.u32 s10, s9;
	s10 =	simm.s32 $0x8;
	s31 =	sadd.s32 $0xFFFFFFFF, s30  }
0x13: {  	s11 =	sadd.s32 s9, s1;
	s1 =	sadd.s32 $0x2800, s1;
	p2 =	sne.s32 s31, $0x0  }
.Ltmp0:
0x14: {  	s0 =	sadd.s32 s0, s9;
	s22 =	sadd.s32 s4, s9;
	(pc) =	sbr.rel @!p2 .LBB2_5-.Ltmp0, $4  }
0x15: {  	s23 =	sadd.s32 s5, s9;
	s4 =	simm.s32 $0x200;
	s5 =	simm.s32 $0x600  }
0x16: {  	s9 =	simm.s32 $0x800;
	s26 =	sshrl.u32 @!p0 s2, $0x3;
	[dreg:$0xb] =	wrdreg s0  }
0x17: {  	s24 =	sadd.s32 $0x1E00, s11;
	s25 =	sadd.s32 $0x1600, s11;
	s21 =	sadd.s32 $0xE00, s11  }
0x18: {  	s7 =	simm.s32 $0xA00;
	s11 =	simm.s32 $0x8C00;
	s0 =	rddreg [dreg:$0xb]  }
0x19: {  	[tilespmem:s6], [sflag:$0x1] =	stream.linear.gather [hbm4b:s0+s6], $0x200, $0x38;
	[tilespmem:$0xD3F0] =	vst v63  }
0x1a: {  	_ = 	snop  }
0x1b: {  	[tilespmem:s4], [sflag:$0x2] =	stream.linear.gather [hbm4b:s22+s6], $0x200, $0x38;
	[tilespmem:$0xD3F0] =	vst v63  }
0x1c: {  	_ = 	snop  }
0x1d: {  	[tilespmem:s14], [sflag:$0x3] =	stream.linear.gather [hbm4b:s23+s6], $0x200, $0x38;
	[tilespmem:$0xD3F0] =	vst v63  }
0x1e: {  	_ = 	snop  }
0x1f: {  	[tilespmem:s5], [sflag:$0x4] =	stream.linear.gather [hbm4b:s24+s6], $0x200, $0x38;
	[tilespmem:$0xD3F0] =	vst v63  }
0x20: {  	_ = 	snop  }
0x21: {  	[tilespmem:s9], [sflag:$0x4] =	stream.linear.gather [hbm4b:s25+s6], $0x200, $0x38;
	[tilespmem:$0xD3F0] =	vst v63  }
0x22: {  	s0 =	rddreg [dreg:$0x9];
	s29 =	simm.s32 @!p0 $0x1C09;
	s30 =	simm.s32 @!p0 $0x9  }
0x23: {  	[tilespmem:s7], [sflag:$0x4] =	stream.linear.gather [hbm4b:s21+s6], $0x200, $0x38;
	[tilespmem:$0xD3F0] =	vst v63  }
0x24: {  	[spmem:s28], [sflag:s29] =	dma.local @!p0 [hbm:s0], $0xFA4  }
0x25: {  	_ =	swait.ge @!p0 [sflag:s30], $0xFA4  }
0x26: {  	[sflag:s30] =	ssyncset.done @!p0 $0x0  }
0x27: {  	s0 =	rddreg [dreg:$0xa];
	[sflag:s30] =	ssyncadd.s32 @!p0 $0xFFFFF05C  }
0x28: {  	[spmem:s26], [sflag:s29] =	dma.local @!p0 [hbm:s0], $0x2C  }
0x29: {  	_ =	swait.ge @!p0 [sflag:s30], $0x2C  }
0x2a: {  	[sflag:s30] =	ssyncset.done @!p0 $0x0  }
0x2b: {  	[sflag:s30] =	ssyncadd.s32 @!p0 $0xFFFFFFD4  }
0x2c: {  	_ =	swait.ge [sflag:s20], $0x200  }
0x2d: {  	[sflag:s20] =	ssyncset.done $0x0  }
0x2e: {  	s0 =	rddreg [dreg:$0x8];
	[sflag:s20] =	ssyncadd.s32 $0xFFFFFE00  }
0x2f: {  	[tilespmem:s8], [sflag:$0x5] =	stream.indirect.gather [hbm4b:s0+s4], $0x20, s6, s4, $0xb8;
	[tilespmem:$0xD3F0] =	vst v63  }
0x30: {  	[bflag:$0x0] =	sbarrier.arrive $0xFFFF  }
0x31: {  	_ =	swait.ge [sflag:s19], $0x200  }
0x32: {  	[sflag:s19] =	ssyncset.done $0x0  }
0x33: {  	[sflag:s19] =	ssyncadd.s32 $0xFFFFFE00  }
0x34: {  	[tilespmem:s12], [sflag:$0x6] =	stream.indirect.gather [spmem:s3], $0x20, s4, s4, $0xb8;
	[tilespmem:$0xD3F0] =	vst v63  }
0x35: {  	_ =	swait.ge [sflag:s18], $0x200  }
0x36: {  	[sflag:s18] =	ssyncset.done $0x0  }
0x37: {  	[sflag:s18] =	ssyncadd.s32 $0xFFFFFE00  }
0x38: {  	[tilespmem:s11], [sflag:$0x7] =	stream.indirect.gather [spmem:s2], $0x20, s14, s4, $0xb8;
	[tilespmem:$0xD3F0] =	vst v63  }
0x39: {  	_ =	swait.ge [sflag:s17], $0x200  }
0x3a: {  	[sflag:s17] =	ssyncset.done $0x0  }
0x3b: {  	[sflag:s17] =	ssyncadd.s32 $0xFFFFFE00  }
0x3c: {  	_ =	swait.ge [sflag:s17], $0x200  }
0x3d: {  	[sflag:s17] =	ssyncset.done $0x0  }
0x3e: {  	[sflag:s17] =	ssyncadd.s32 $0xFFFFFE00  }
0x3f: {  	_ =	swait.ge [sflag:s17], $0x200  }
0x40: {  	[sflag:s17] =	ssyncset.done $0x0  }
0x41: {  	[sflag:s17] =	ssyncadd.s32 $0xFFFFFE00  }
0x42: {  	_ =	swait.ge [sflag:s15], $0x4000  }
0x43: {  	[sflag:s15] =	ssyncset.done $0x0  }
0x44: {  	[sflag:s15] =	ssyncadd.s32 $0xFFFFC000  }
0x45: {  	[hbm4b:s1+s4] =	stream.indirect.scatter [tilespmem:s12], [sflag:$0x8], $0x20, s9, s4, $0xb8;
	[tilespmem:$0xD3F0] =	vst v63  }
0x46: {  	_ =	swait.ge [sflag:s16], $0x4000  }
0x47: {  	[sflag:s16] =	ssyncset.done $0x0  }
0x48: {  	[sflag:s16] =	ssyncadd.s32 $0xFFFFC000  }
0x49: {  	[hbm4b:s1+s4] =	stream.indirect.scatter [tilespmem:s11], [sflag:$0x8], $0x20, s7, s4, $0xb8;
	[tilespmem:$0xD3F0] =	vst v63  }
0x4a: {  	_ =	swait.ge [sflag:s13], $0x4000  }
0x4b: {  	[sflag:s13] =	ssyncset.done $0x0  }
0x4c: {  	[sflag:s13] =	ssyncadd.s32 $0xFFFFC000  }
0x4d: {  	[hbm4b:s1+s4] =	stream.indirect.scatter [tilespmem:s8], [sflag:$0x8], $0x20, s5, s4, $0xb8;
	[tilespmem:$0xD3F0] =	vst v63  }
0x4e: {  	_ =	swait.ge [sflag:s10], $0x4000  }
0x4f: {  	s31 =	sadd.s32 $0xFFFFFFFF, s31;
	[sflag:s10] =	ssyncset.done $0x0  }
0x50: {  	p2 =	sne.s32 s31, $0x0;
	[sflag:s10] =	ssyncadd.s32 $0xFFFFC000  }
.Ltmp1:
0x51: {  	_ =	swait.ge [sflag:s10], $0x4000;
	(pc) =	sbr.rel @!p2 .LBB2_2-.Ltmp1, $4  }
0x52: {  	[sflag:s10] =	ssyncset.done $0x0  }
0x53: {  	[sflag:s10] =	ssyncadd.s32 $0xFFFFC000  }
0x54: {  	_ =	swait.ge [sflag:s10], $0x4000  }
0x55: {  	p1 =	por $0x1, $0x1;
	s0 =	rddreg [dreg:$0xb];
	[sflag:s10] =	ssyncset.done $0x0  }
.LBB2_3:
0x56: {  	[sflag:s10] =	ssyncadd.s32 $0xFFFFC000  }
0x57: {  	[tilespmem:s6], [sflag:$0x1] =	stream.linear.gather [hbm4b:s0+s6], $0x200, $0x38;
	[tilespmem:$0xD3F0] =	vst v63  }
0x58: {  	_ = 	snop  }
0x59: {  	[tilespmem:s4], [sflag:$0x2] =	stream.linear.gather [hbm4b:s22+s6], $0x200, $0x38;
	[tilespmem:$0xD3F0] =	vst v63  }
0x5a: {  	_ = 	snop  }
0x5b: {  	[tilespmem:s14], [sflag:$0x3] =	stream.linear.gather [hbm4b:s23+s6], $0x200, $0x38;
	[tilespmem:$0xD3F0] =	vst v63  }
0x5c: {  	_ = 	snop  }
0x5d: {  	[tilespmem:s5], [sflag:$0x4] =	stream.linear.gather [hbm4b:s24+s6], $0x200, $0x38;
	[tilespmem:$0xD3F0] =	vst v63  }
0x5e: {  	_ = 	snop  }
0x5f: {  	[tilespmem:s9], [sflag:$0x4] =	stream.linear.gather [hbm4b:s25+s6], $0x200, $0x38;
	[tilespmem:$0xD3F0] =	vst v63  }
0x60: {  	s0 =	rddreg [dreg:$0x9]  }
0x61: {  	[tilespmem:s7], [sflag:$0x4] =	stream.linear.gather [hbm4b:s21+s6], $0x200, $0x38;
	[tilespmem:$0xD3F0] =	vst v63  }
0x62: {  	[spmem:s28], [sflag:s29] =	dma.local @!p0 [hbm:s0], $0xFA4  }
0x63: {  	_ =	swait.ge @!p0 [sflag:s30], $0xFA4  }
0x64: {  	[sflag:s30] =	ssyncset.done @!p0 $0x0  }
0x65: {  	s0 =	rddreg [dreg:$0xa];
	[sflag:s30] =	ssyncadd.s32 @!p0 $0xFFFFF05C  }
0x66: {  	[spmem:s26], [sflag:s29] =	dma.local @!p0 [hbm:s0], $0x2C  }
0x67: {  	_ =	swait.ge @!p0 [sflag:s30], $0x2C  }
0x68: {  	[sflag:s30] =	ssyncset.done @!p0 $0x0  }
0x69: {  	[sflag:s30] =	ssyncadd.s32 @!p0 $0xFFFFFFD4  }
0x6a: {  	_ =	swait.ge [sflag:s20], $0x200  }
0x6b: {  	[sflag:s20] =	ssyncset.done $0x0  }
0x6c: {  	s0 =	rddreg [dreg:$0x8];
	[sflag:s20] =	ssyncadd.s32 $0xFFFFFE00  }
0x6d: {  	[tilespmem:s8], [sflag:$0x5] =	stream.indirect.gather [hbm4b:s0+s4], $0x20, s6, s4, $0xb8;
	[tilespmem:$0xD3F0] =	vst v63  }
0x6e: {  	[bflag:$0x0] =	sbarrier.arrive $0xFFFF  }
0x6f: {  	_ =	swait.ge [sflag:s19], $0x200  }
0x70: {  	[sflag:s19] =	ssyncset.done $0x0  }
0x71: {  	[sflag:s19] =	ssyncadd.s32 $0xFFFFFE00  }
0x72: {  	[tilespmem:s12], [sflag:$0x6] =	stream.indirect.gather [spmem:s3], $0x20, s4, s4, $0xb8;
	[tilespmem:$0xD3F0] =	vst v63  }
0x73: {  	_ =	swait.ge [sflag:s18], $0x200  }
0x74: {  	[sflag:s18] =	ssyncset.done $0x0  }
0x75: {  	[sflag:s18] =	ssyncadd.s32 $0xFFFFFE00  }
0x76: {  	[tilespmem:s11], [sflag:$0x7] =	stream.indirect.gather [spmem:s2], $0x20, s14, s4, $0xb8;
	[tilespmem:$0xD3F0] =	vst v63  }
0x77: {  	_ =	swait.ge [sflag:s17], $0x200  }
0x78: {  	[sflag:s17] =	ssyncset.done $0x0  }
0x79: {  	[sflag:s17] =	ssyncadd.s32 $0xFFFFFE00  }
0x7a: {  	_ =	swait.ge [sflag:s17], $0x200  }
0x7b: {  	[sflag:s17] =	ssyncset.done $0x0  }
0x7c: {  	[sflag:s17] =	ssyncadd.s32 $0xFFFFFE00  }
0x7d: {  	_ =	swait.ge [sflag:s17], $0x200  }
0x7e: {  	[sflag:s17] =	ssyncset.done $0x0  }
0x7f: {  	[sflag:s17] =	ssyncadd.s32 $0xFFFFFE00  }
0x80: {  	_ =	swait.ge [sflag:s15], $0x4000  }
0x81: {  	[sflag:s15] =	ssyncset.done $0x0  }
0x82: {  	[sflag:s15] =	ssyncadd.s32 $0xFFFFC000  }
0x83: {  	[hbm4b:s1+s4] =	stream.indirect.scatter [tilespmem:s12], [sflag:$0x8], $0x20, s9, s4, $0xb8;
	[tilespmem:$0xD3F0] =	vst v63  }
0x84: {  	_ =	swait.ge [sflag:s16], $0x4000  }
0x85: {  	[sflag:s16] =	ssyncset.done $0x0  }
0x86: {  	[sflag:s16] =	ssyncadd.s32 $0xFFFFC000  }
0x87: {  	[hbm4b:s1+s4] =	stream.indirect.scatter [tilespmem:s11], [sflag:$0x8], $0x20, s7, s4, $0xb8;
	[tilespmem:$0xD3F0] =	vst v63  }
0x88: {  	_ =	swait.ge [sflag:s13], $0x4000  }
0x89: {  	[sflag:s13] =	ssyncset.done $0x0  }
0x8a: {  	[sflag:s13] =	ssyncadd.s32 $0xFFFFC000  }
0x8b: {  	[hbm4b:s1+s4] =	stream.indirect.scatter [tilespmem:s8], [sflag:$0x8], $0x20, s5, s4, $0xb8;
	[tilespmem:$0xD3F0] =	vst v63  }
0x8c: {  	_ =	swait.ge [sflag:s10], $0x4000  }
0x8d: {  	s31 =	sadd.s32 $0xFFFFFFFF, s31;
	[sflag:s10] =	ssyncset.done $0x0  }
0x8e: {  	p2 =	sne.s32 s31, $0x0;
	[sflag:s10] =	ssyncadd.s32 $0xFFFFC000  }
.Ltmp2:
0x8f: {  	_ =	swait.ge [sflag:s10], $0x4000;
	(pc) =	sbr.rel @p2 .LBB2_3-.Ltmp2, $4  }
0x90: {  	[sflag:s10] =	ssyncset.done $0x0  }
0x91: {  	[sflag:s10] =	ssyncadd.s32 $0xFFFFC000  }
0x92: {  	_ =	swait.ge [sflag:s10], $0x4000  }
0x93: {  	s0 =	rddreg [dreg:$0xb];
	[sflag:s10] =	ssyncset.done $0x0  }
0x94: {  	s29 =	rddreg [dreg:$0x7]  }
.LBB2_5:
0x95: {  	[sflag:s10] =	ssyncadd.s32 @p1 $0xFFFFC000  }
0x96: {  	[tilespmem:s6], [sflag:$0x1] =	stream.linear.gather [hbm4b:s0+s6], $0x200, $0x38;
	[tilespmem:$0xD3F0] =	vst v63  }
0x97: {  	_ = 	snop  }
0x98: {  	[tilespmem:s4], [sflag:$0x2] =	stream.linear.gather [hbm4b:s22+s6], $0x200, $0x38;
	[tilespmem:$0xD3F0] =	vst v63  }
0x99: {  	_ = 	snop  }
0x9a: {  	[tilespmem:s14], [sflag:$0x3] =	stream.linear.gather [hbm4b:s23+s6], $0x200, $0x38;
	[tilespmem:$0xD3F0] =	vst v63  }
0x9b: {  	_ = 	snop  }
0x9c: {  	[tilespmem:s5], [sflag:$0x4] =	stream.linear.gather [hbm4b:s24+s6], $0x200, $0x38;
	[tilespmem:$0xD3F0] =	vst v63  }
0x9d: {  	_ = 	snop  }
0x9e: {  	[tilespmem:s9], [sflag:$0x4] =	stream.linear.gather [hbm4b:s25+s6], $0x200, $0x38;
	[tilespmem:$0xD3F0] =	vst v63  }
0x9f: {  	_ = 	snop  }
0xa0: {  	[tilespmem:s7], [sflag:$0x4] =	stream.linear.gather [hbm4b:s21+s6], $0x200, $0x38;
	[tilespmem:$0xD3F0] =	vst v63  }
0xa1: {  	s0 =	rddreg [dreg:$0x9];
	s21 =	simm.s32 @!p0 $0x1C09  }
0xa2: {  	[spmem:s28], [sflag:s21] =	dma.local @!p0 [hbm:s0], $0xFA4  }
0xa3: {  	s0 =	simm.s32 @!p0 $0x9  }
0xa4: {  	_ =	swait.ge @!p0 [sflag:s0], $0xFA4  }
0xa5: {  	[sflag:s0] =	ssyncset.done @!p0 $0x0  }
0xa6: {  	s22 =	rddreg [dreg:$0xa];
	[sflag:s0] =	ssyncadd.s32 @!p0 $0xFFFFF05C  }
0xa7: {  	[spmem:s26], [sflag:s21] =	dma.local @!p0 [hbm:s22], $0x2C  }
0xa8: {  	_ =	swait.ge @!p0 [sflag:s0], $0x2C  }
0xa9: {  	[sflag:s0] =	ssyncset.done @!p0 $0x0  }
0xaa: {  	[sflag:s0] =	ssyncadd.s32 @!p0 $0xFFFFFFD4  }
0xab: {  	_ =	swait.ge [sflag:s20], $0x200  }
0xac: {  	[sflag:s20] =	ssyncset.done $0x0  }
0xad: {  	s31 =	rddreg [dreg:$0x8];
	[sflag:s20] =	ssyncadd.s32 $0xFFFFFE00  }
0xae: {  	[tilespmem:s8], [sflag:$0x5] =	stream.indirect.gather [hbm4b:s31+s4], $0x20, s6, s4, $0xb8;
	[tilespmem:$0xD3F0] =	vst v63  }
0xaf: {  	[bflag:$0x0] =	sbarrier.arrive $0xFFFF  }
0xb0: {  	_ =	swait.ge [sflag:s19], $0x200  }
0xb1: {  	[sflag:s19] =	ssyncset.done $0x0  }
0xb2: {  	[sflag:s19] =	ssyncadd.s32 $0xFFFFFE00  }
0xb3: {  	[tilespmem:s12], [sflag:$0x6] =	stream.indirect.gather [spmem:s3], $0x20, s4, s4, $0xb8;
	[tilespmem:$0xD3F0] =	vst v63  }
0xb4: {  	_ =	swait.ge [sflag:s18], $0x200  }
0xb5: {  	[sflag:s18] =	ssyncset.done $0x0  }
0xb6: {  	[sflag:s18] =	ssyncadd.s32 $0xFFFFFE00  }
0xb7: {  	[tilespmem:s11], [sflag:$0x7] =	stream.indirect.gather [spmem:s2], $0x20, s14, s4, $0xb8;
	[tilespmem:$0xD3F0] =	vst v63  }
0xb8: {  	_ =	swait.ge [sflag:s17], $0x200  }
0xb9: {  	[sflag:s17] =	ssyncset.done $0x0  }
0xba: {  	[sflag:s17] =	ssyncadd.s32 $0xFFFFFE00  }
0xbb: {  	_ =	swait.ge [sflag:s17], $0x200  }
0xbc: {  	[sflag:s17] =	ssyncset.done $0x0  }
0xbd: {  	[sflag:s17] =	ssyncadd.s32 $0xFFFFFE00  }
0xbe: {  	_ =	swait.ge [sflag:s17], $0x200  }
0xbf: {  	[sflag:s17] =	ssyncset.done $0x0  }
0xc0: {  	[sflag:s17] =	ssyncadd.s32 $0xFFFFFE00  }
0xc1: {  	_ =	swait.ge [sflag:s15], $0x4000  }
0xc2: {  	[sflag:s15] =	ssyncset.done $0x0  }
0xc3: {  	[sflag:s15] =	ssyncadd.s32 $0xFFFFC000  }
0xc4: {  	[hbm4b:s1+s4] =	stream.indirect.scatter [tilespmem:s12], [sflag:$0x8], $0x20, s9, s4, $0xb8;
	[tilespmem:$0xD3F0] =	vst v63  }
0xc5: {  	_ =	swait.ge [sflag:s16], $0x4000  }
0xc6: {  	[sflag:s16] =	ssyncset.done $0x0  }
0xc7: {  	[sflag:s16] =	ssyncadd.s32 $0xFFFFC000  }
0xc8: {  	[hbm4b:s1+s4] =	stream.indirect.scatter [tilespmem:s11], [sflag:$0x8], $0x20, s7, s4, $0xb8;
	[tilespmem:$0xD3F0] =	vst v63  }
0xc9: {  	_ =	swait.ge [sflag:s13], $0x4000  }
0xca: {  	[sflag:s13] =	ssyncset.done $0x0  }
0xcb: {  	[sflag:s13] =	ssyncadd.s32 $0xFFFFC000  }
0xcc: {  	[hbm4b:s1+s4] =	stream.indirect.scatter [tilespmem:s8], [sflag:$0x8], $0x20, s5, s4, $0xb8;
	[tilespmem:$0xD3F0] =	vst v63  }
0xcd: {  	_ =	swait.ge [sflag:s10], $0x4000  }
0xce: {  	[sflag:s10] =	ssyncset.done $0x0  }
0xcf: {  	[sflag:s10] =	ssyncadd.s32 $0xFFFFC000  }
0xd0: {  	_ =	swait.ge [sflag:s10], $0x4000  }
0xd1: {  	[sflag:s10] =	ssyncset.done $0x0  }
0xd2: {  	[sflag:s10] =	ssyncadd.s32 $0xFFFFC000  }
0xd3: {  	_ =	swait.ge [sflag:s10], $0x4000  }
0xd4: {  	[sflag:s10] =	ssyncset.done $0x0  }
0xd5: {  	[sflag:s10] =	ssyncadd.s32 $0xFFFFC000  }
0xd6: {  	_ =	sfence.sel $0x180000  }
0xd7: {  	[bflag:$0x0] =	sbarrier.arrive $0xFFFF  }
0xd8: {  	_ =	strace $0x90000047  }
0xd9: {  	s0 =	sadd.s32 @!p0 $0x100000, s29;
	[bflag:$0x2] =	sbarrier.arrive $0xFFFF  }
0xda: {  	[sflag:s0] =	ssyncadd.tile.s32 @!p0 $0x1;
	_ =	shalt  }
.LBB2_2:
.Ltmp3:
0xdb: {  	(pc) =	sbr.rel .LBB2_5-.Ltmp3, $2  }
0xdc: {  	_ =	sdelay $0x2  }
0xdd: {  	s29 =	rddreg [dreg:$0x7]  }
.Lfunc_end2:
_tile_overlayer_lowered:
.L_overlay_start_2:
0xde: {  	(tag) =	ssettag $0x2  }
0xdf: {  	s0 =	rddreg [dreg:$0x0];
	s2 =	stileid.u32  }
0xe0: {  	s1 =	rddreg [dreg:$0x1];
	p0 =	sne.s32 s2, $0x0  }
0xe1: {  	s3 =	rddreg [dreg:$0x2];
	[bflag:$0x3] =	sbarrier.arrive $0xFFFF;
	s2 =	simm.s32 @!p0 $0x1C09  }
0xe2: {  	[timem:s3], [sflag:s2] =	dma.local @!p0 [hbm:s0], s1  }
0xe3: {  	s0 =	simm.s32 @!p0 $0x9  }
0xe4: {  	_ =	swait.ge @!p0 [sflag:s0], s1  }
0xe5: {  	s1 =	ssub.s32 @!p0 $0x0, s1;
	[sflag:s0] =	ssyncset.done @!p0 $0x0  }
0xe6: {  	[sflag:s0] =	ssyncadd.s32 @!p0 s1  }
0xe7: {  	[bflag:$0x3] =	sbarrier.arrive $0xFFFF  }
0xe8: {  	_ =	shalt  }

</sc_bundles>
